<compile_context>
chip_gen: v7x
topology: tpu7x:2x2x1
jax: 0.10.2.dev20260603
libtpu: 0.0.44.dev20260713+nightly
codegen_flags: <defaults>
</compile_context>

<pallas_src>
import functools

import jax
import jax.numpy as jnp
import numpy as np
from jax import lax
from jax.experimental import pallas as pl
from jax.experimental.pallas import tpu as pltpu
from jax.experimental.pallas import tpu_sc as plsc

_THRESH = np.float32(0.01)
_RQ = 64
_RX = 256
_L = 16


def _argmax_stage(attn):
    heads, n, _ = attn.shape

    def body(attn_ref, idx_ref):
        b = attn_ref[...]
        acc = b[0]
        for h in range(1, heads):
            acc = acc + b[h]
        mean = acc * jnp.float32(1.0 / heads)
        rowmax = jnp.max(mean, axis=1, keepdims=True)
        iota = lax.broadcasted_iota(jnp.int32, (_RQ, n), 1)
        cand = jnp.where(mean == rowmax, iota, jnp.int32(n))
        idx = jnp.min(cand, axis=1, keepdims=True)
        valid = rowmax >= _THRESH
        idx_ref[...] = jnp.where(valid, idx, jnp.int32(-1))

    return pl.pallas_call(
        body,
        grid=(n // _RQ,),
        in_specs=[pl.BlockSpec((heads, _RQ, n), lambda q: (0, q, 0))],
        out_specs=pl.BlockSpec((_RQ, 1), lambda q: (q, 0)),
        out_shape=jax.ShapeDtypeStruct((n, 1), jnp.int32),
    )(attn)


def _make_sc_scatter(n):
    mesh = plsc.VectorSubcoreMesh(core_axis_name="c", subcore_axis_name="s")

    @functools.partial(
        pl.kernel,
        mesh=mesh,
        out_type=jax.ShapeDtypeStruct((n,), jnp.int32),
        scratch_types=[
            pltpu.VMEM((n,), jnp.int32),
            pltpu.VMEM((n,), jnp.int32),
        ],
        compiler_params=pltpu.CompilerParams(needs_layout_passes=False),
    )
    def sc_scatter(idx_hbm, km_hbm, idx_v, km_v):
        cid = lax.axis_index("c")
        sid = lax.axis_index("s")

        @pl.when(jnp.logical_and(cid == 0, sid == 0))
        def _():
            pltpu.sync_copy(idx_hbm, idx_v)

            def zero_body(i, carry):
                km_v[pl.ds(i * _L, _L)] = jnp.zeros((_L,), jnp.int32)
                return carry

            lax.fori_loop(0, n // _L, zero_body, 0)

            def scat_body(i, carry):
                iv = idx_v[pl.ds(i * _L, _L)]
                valid = iv >= 0
                safe = jnp.where(valid, iv, 0)
                plsc.store_scatter(
                    km_v, [safe], jnp.ones((_L,), jnp.int32), mask=valid
                )
                return carry

            lax.fori_loop(0, n // _L, scat_body, 0)
            pltpu.sync_copy(km_v, km_hbm)

    return sc_scatter


def _mask_stage(x, km2d):
    n, m = x.shape

    def body(km_ref, x_ref, o_ref):
        keep = km_ref[...] > 0
        o_ref[...] = jnp.where(keep, x_ref[...], jnp.float32(0.0))

    return pl.pallas_call(
        body,
        grid=(n // _RX,),
        in_specs=[
            pl.BlockSpec((_RX, 1), lambda i: (i, 0)),
            pl.BlockSpec((_RX, m), lambda i: (i, 0)),
        ],
        out_specs=pl.BlockSpec((_RX, m), lambda i: (i, 0)),
        out_shape=jax.ShapeDtypeStruct((n, m), jnp.float32),
    )(km2d, x)


def kernel(x, attn):
    n = x.shape[0]
    idx = _argmax_stage(attn)
    km = _make_sc_scatter(n)(idx.reshape(n))
    return _mask_stage(x, km.reshape(n, 1))

# --- scband reference (transcript-rebuilt; emitter-appended) ---
"""Pipeline reference for scband-greedy-token-selector-36567351558902 (READ-ONLY COPY).

The authoritative reference and input builder live on the scoring server;
editing this copy changes nothing except your own understanding.
"""

import jax, jax.numpy as jnp
import numpy as np

THRESHOLD = 0.01

def setup_inputs(seed: int = 0):
    key = jax.random.key(seed)
    k1, k2 = jax.random.split(key)
    x = jax.random.normal(k1, (2048, 2048), dtype=jnp.float32)
    attn = jax.random.uniform(k2, (16, 2048, 2048), dtype=jnp.float32)
    return {"x": x, "attn": attn}

def _vectorized_one_to_one(attn_avg, threshold):
    head, N, _ = attn_avg.shape
    scores = jnp.where(attn_avg < threshold, jnp.float32(-1e9), attn_avg)
    top1_vals = jnp.max(scores, axis=-1)
    top1_idx = jnp.argmax(scores, axis=-1).astype(jnp.int32)
    valid = top1_idx >= 0
    head_idx = jnp.broadcast_to(jnp.arange(head)[:, None], (head, N))
    query_idx = jnp.broadcast_to(jnp.arange(N)[None, :], (head, N))
    safe_idx = jnp.where(valid, top1_idx, 0)
    one_hot = jnp.zeros((head, N, N), dtype=jnp.int32).at[head_idx, query_idx, safe_idx].max(valid.astype(jnp.int32))
    cumsum = jnp.cumsum(one_hot, axis=2)
    duplicate_mask = jnp.any(cumsum > 1, axis=-1)
    top1_idx = jnp.where(duplicate_mask, -1, top1_idx)
    top1_idx = jnp.where(top1_vals < threshold, -1, top1_idx)
    return top1_idx

def reference(x, attn):
    attn_mean = attn.mean(axis=0)
    top1_idx = _vectorized_one_to_one(attn_mean[None], THRESHOLD)[0]
    valid_queries = top1_idx >= 0
    safe_keys = jnp.where(valid_queries, top1_idx, 0)
    km = jnp.zeros(x.shape[0], dtype=jnp.int32).at[safe_keys].max(valid_queries.astype(jnp.int32))
    key_mask = km > 0
    x_zeroed = jnp.where(key_mask[:, None], x, jnp.float32(0.0))
    return x_zeroed

if __name__ == "__main__":
    import jax
    _d = setup_inputs()
    print(jax.jit(kernel)(*tuple(_d.values())))

</pallas_src>

<mosaic_0001>
#map = affine_map<(d0, d1) -> (0)>
module attributes {stable_mosaic.version = 14 : i64} {
  func.func @sc_scatter(%arg0: i32, %arg1: i32, %arg2: memref<2048xi32, #tpu.memory_space<hbm>>, %arg3: memref<2048xi32, #tpu.memory_space<hbm>>, %arg4: memref<2048xi32, #tpu.memory_space<vmem>>, %arg5: memref<2048xi32, #tpu.memory_space<vmem>>) attributes {dimension_semantics = [#tpu.dimension_semantics<core_parallel>, #tpu.dimension_semantics<subcore_parallel>], iteration_bounds = array<i64: 2, 16>, scalar_prefetch = 0 : i64, scratch_operands = 2 : i64, tpu.core_type = #tpu.core_type<sc_vector_subcore>, window_params = [{transform_indices = #map}, {transform_indices = #map}]} {
    %eq3A = arith.constant 0 : i32
    %eq3A_0 = arith.cmpi eq, %arg0, %eq3A : i32
    %eq3A_1 = arith.constant 0 : i32
    %eq3A_2 = arith.cmpi eq, %arg1, %eq3A_1 : i32
    %and3A = arith.andi %eq3A_0, %eq3A_2 : i1
    %convert_element_type3A = arith.extui %and3A : i1 to i32
    %cond3A = arith.constant 0 : i32
    %cond3A_3 = arith.cmpi ne, %convert_element_type3A, %cond3A : i32
    scf.if %cond3A_3 {
      "tpu.region"() ({
        %run_scoped3A = tpu.sem_alloc : memref<!tpu.dma_semaphore, #tpu.memory_space<semaphore_mem>>
        tpu.enqueue_dma source(%arg2 : memref<2048xi32, #tpu.memory_space<hbm>>) target(%arg4 : memref<2048xi32, #tpu.memory_space<vmem>>) target_semaphore(%run_scoped3A : memref<!tpu.dma_semaphore, #tpu.memory_space<semaphore_mem>>)
        tpu.wait_dma2 semaphore(%run_scoped3A : memref<!tpu.dma_semaphore, #tpu.memory_space<semaphore_mem>>) src(%arg2 : memref<2048xi32, #tpu.memory_space<hbm>>) dst(%arg4 : memref<2048xi32, #tpu.memory_space<vmem>>)
        tpu.yield
      }) : () -> ()
      %scan3A = arith.constant 0 : i32
      %scan3A_4 = arith.constant 0 : i32
      %scan3A_5 = arith.constant 128 : i32
      %scan3A_6 = arith.addi %scan3A_4, %scan3A_5 : i32
      %scan3A_7 = arith.constant 1 : i32
      scf.for %scan3A_15 = %scan3A_4 to %scan3A_6 step %scan3A_7  : i32 {
        %broadcast_in_dim3A = arith.constant 0 : i32
        %broadcast_in_dim3A_16 = vector.broadcast %broadcast_in_dim3A : i32 to vector<16xi32>
        %mul3A = arith.constant 16 : i32
        %mul3A_17 = arith.muli %scan3A_15, %mul3A : i32
        %swap3A = arith.index_cast %mul3A_17 : i32 to index
        %swap3A_18 = tpu.vector_load %arg5[%swap3A] {strides = array<i32>} : memref<2048xi32, #tpu.memory_space<vmem>>, vector<16xi32>,
        tpu.vector_store %arg5[%swap3A], %broadcast_in_dim3A_16 {strides = array<i32>} : memref<2048xi32, #tpu.memory_space<vmem>>, vector<16xi32>,
      }
      %scan3A_8 = arith.constant 128 : i32
      %scan3A_9 = arith.constant 0 : i32
      %scan3A_10 = arith.constant 0 : i32
      %scan3A_11 = arith.constant 128 : i32
      %scan3A_12 = arith.addi %scan3A_10, %scan3A_11 : i32
      %scan3A_13 = arith.constant 1 : i32
      scf.for %scan3A_15 = %scan3A_10 to %scan3A_12 step %scan3A_13  : i32 {
        %mul3A = arith.constant 16 : i32
        %mul3A_16 = arith.muli %scan3A_15, %mul3A : i32
        %get3A = arith.index_cast %mul3A_16 : i32 to index
        %get3A_17 = tpu.vector_load %arg4[%get3A] {strides = array<i32>} : memref<2048xi32, #tpu.memory_space<vmem>>, vector<16xi32>,
        %ge3A = arith.constant 0 : i32
        %ge3A_18 = vector.broadcast %ge3A : i32 to vector<16xi32>
        %ge3A_19 = arith.cmpi sge, %get3A_17, %ge3A_18 : vector<16xi32>
        %jit3A = arith.constant 0 : i32
        %broadcast_in_dim3A = vector.broadcast %jit3A : i32 to vector<16xi32>
        %select_n3A = arith.select %ge3A_19, %get3A_17, %broadcast_in_dim3A : vector<16xi1>, vector<16xi32>
        %broadcast_in_dim3A_20 = arith.constant 1 : i32
        %broadcast_in_dim3A_21 = vector.broadcast %broadcast_in_dim3A_20 : i32 to vector<16xi32>
        tpu.vector_store_idx %arg5[%select_n3A], %broadcast_in_dim3A_21 masked %ge3A_19 : memref<2048xi32, #tpu.memory_space<vmem>>[vector<16xi32>], vector<16xi32>, vector<16xi1>
      }
      %scan3A_14 = arith.constant 128 : i32
      "tpu.region"() ({
        %run_scoped3A = tpu.sem_alloc : memref<!tpu.dma_semaphore, #tpu.memory_space<semaphore_mem>>
        tpu.enqueue_dma source(%arg5 : memref<2048xi32, #tpu.memory_space<vmem>>) target(%arg3 : memref<2048xi32, #tpu.memory_space<hbm>>) target_semaphore(%run_scoped3A : memref<!tpu.dma_semaphore, #tpu.memory_space<semaphore_mem>>)
        tpu.wait_dma2 semaphore(%run_scoped3A : memref<!tpu.dma_semaphore, #tpu.memory_space<semaphore_mem>>) src(%arg5 : memref<2048xi32, #tpu.memory_space<vmem>>) dst(%arg3 : memref<2048xi32, #tpu.memory_space<hbm>>)
        tpu.yield
      }) : () -> ()
    } else {
    }
    return
  }
}

module attributes {stable_mosaic.version = 14 : i64} {
  func.func @body(%arg0: i32, %arg1: memref<256x1xi32, #tpu.memory_space<vmem>>, %arg2: memref<256x2048xf32, #tpu.memory_space<vmem>>, %arg3: memref<256x2048xf32, #tpu.memory_space<vmem>>) attributes {dimension_semantics = [#tpu.dimension_semantics<arbitrary>], iteration_bounds = array<i64: 8>, scalar_prefetch = 0 : i64, scratch_operands = 0 : i64, tpu.core_type = #tpu.core_type<tc>, window_params = [{transform_indices = @transform_0, window_bounds = array<i64: 256, 1>}, {transform_indices = @transform_1, window_bounds = array<i64: 256, 2048>}, {transform_indices = @transform_2, window_bounds = array<i64: 256, 2048>}]} {
    %get3A = arith.constant 0 : index
    %get3A_0 = arith.constant 0 : index
    %get3A_1 = vector.load %arg1[%get3A, %get3A_0] : memref<256x1xi32, #tpu.memory_space<vmem>>, vector<256x1xi32>
    %gt3A = arith.constant 0 : i32
    %gt3A_2 = vector.broadcast %gt3A : i32 to vector<256x1xi32>
    %gt3A_3 = arith.cmpi sgt, %get3A_1, %gt3A_2 : vector<256x1xi32>
    %get3A_4 = arith.constant 0 : index
    %get3A_5 = arith.constant 0 : index
    %get3A_6 = vector.load %arg2[%get3A_4, %get3A_5] : memref<256x2048xf32, #tpu.memory_space<vmem>>, vector<256x2048xf32>
    %jit3A = arith.constant 0.000000e+00 : f32
    %broadcast_in_dim3A = vector.shape_cast %gt3A_3 : vector<256x1xi1> to vector<256x1xi1>
    %broadcast_in_dim3A_7 = vector.broadcast %broadcast_in_dim3A : vector<256x1xi1> to vector<256x2048xi1>
    %broadcast_in_dim3A_8 = vector.broadcast %jit3A : f32 to vector<256x2048xf32>
    %select_n3A = arith.select %broadcast_in_dim3A_7, %get3A_6, %broadcast_in_dim3A_8 : vector<256x2048xi1>, vector<256x2048xf32>
    %swap3A = arith.constant 0 : index
    %swap3A_9 = arith.constant 0 : index
    %swap3A_10 = vector.load %arg3[%swap3A, %swap3A_9] : memref<256x2048xf32, #tpu.memory_space<vmem>>, vector<256x2048xf32>
    tpu.vector_store %arg3[%swap3A, %swap3A_9], %select_n3A {strides = array<i32>} : memref<256x2048xf32, #tpu.memory_space<vmem>>, vector<256x2048xf32>,
    return
  }
  func.func @transform_0(%arg0: i32) -> (i32, i32) {
    %c0_i32 = arith.constant 0 : i32
    %c0_i32_0 = arith.constant 0 : i32
    return %arg0, %c0_i32 : i32, i32
  }
  func.func @transform_1(%arg0: i32) -> (i32, i32) {
    %c0_i32 = arith.constant 0 : i32
    %c0_i32_0 = arith.constant 0 : i32
    return %arg0, %c0_i32 : i32, i32
  }
  func.func @transform_2(%arg0: i32) -> (i32, i32) {
    %c0_i32 = arith.constant 0 : i32
    %c0_i32_0 = arith.constant 0 : i32
    return %arg0, %c0_i32 : i32, i32
  }
}

module attributes {stable_mosaic.version = 14 : i64} {
  func.func @body(%arg0: i32, %arg1: memref<16x64x2048xf32, #tpu.memory_space<vmem>>, %arg2: memref<64x1xi32, #tpu.memory_space<vmem>>) attributes {dimension_semantics = [#tpu.dimension_semantics<arbitrary>], iteration_bounds = array<i64: 32>, scalar_prefetch = 0 : i64, scratch_operands = 0 : i64, tpu.core_type = #tpu.core_type<tc>, window_params = [{transform_indices = @transform_0, window_bounds = array<i64: 16, 64, 2048>}, {transform_indices = @transform_1, window_bounds = array<i64: 64, 1>}]} {
    %get3A = arith.constant 0 : index
    %get3A_0 = arith.constant 0 : index
    %get3A_1 = arith.constant 0 : index
    %get3A_2 = vector.load %arg1[%get3A, %get3A_0, %get3A_1] : memref<16x64x2048xf32, #tpu.memory_space<vmem>>, vector<16x64x2048xf32>
    %slice3A = vector.extract_strided_slice %get3A_2 {offsets = [0, 0, 0], sizes = [1, 64, 2048], strides = [1, 1, 1]} : vector<16x64x2048xf32> to vector<1x64x2048xf32>
    %squeeze3A = vector.shape_cast %slice3A : vector<1x64x2048xf32> to vector<64x2048xf32>
    %slice3A_3 = vector.extract_strided_slice %get3A_2 {offsets = [1, 0, 0], sizes = [1, 64, 2048], strides = [1, 1, 1]} : vector<16x64x2048xf32> to vector<1x64x2048xf32>
    %squeeze3A_4 = vector.shape_cast %slice3A_3 : vector<1x64x2048xf32> to vector<64x2048xf32>
    %add3A = arith.addf %squeeze3A, %squeeze3A_4 : vector<64x2048xf32>
    %slice3A_5 = vector.extract_strided_slice %get3A_2 {offsets = [2, 0, 0], sizes = [1, 64, 2048], strides = [1, 1, 1]} : vector<16x64x2048xf32> to vector<1x64x2048xf32>
    %squeeze3A_6 = vector.shape_cast %slice3A_5 : vector<1x64x2048xf32> to vector<64x2048xf32>
    %add3A_7 = arith.addf %add3A, %squeeze3A_6 : vector<64x2048xf32>
    %slice3A_8 = vector.extract_strided_slice %get3A_2 {offsets = [3, 0, 0], sizes = [1, 64, 2048], strides = [1, 1, 1]} : vector<16x64x2048xf32> to vector<1x64x2048xf32>
    %squeeze3A_9 = vector.shape_cast %slice3A_8 : vector<1x64x2048xf32> to vector<64x2048xf32>
    %add3A_10 = arith.addf %add3A_7, %squeeze3A_9 : vector<64x2048xf32>
    %slice3A_11 = vector.extract_strided_slice %get3A_2 {offsets = [4, 0, 0], sizes = [1, 64, 2048], strides = [1, 1, 1]} : vector<16x64x2048xf32> to vector<1x64x2048xf32>
    %squeeze3A_12 = vector.shape_cast %slice3A_11 : vector<1x64x2048xf32> to vector<64x2048xf32>
    %add3A_13 = arith.addf %add3A_10, %squeeze3A_12 : vector<64x2048xf32>
    %slice3A_14 = vector.extract_strided_slice %get3A_2 {offsets = [5, 0, 0], sizes = [1, 64, 2048], strides = [1, 1, 1]} : vector<16x64x2048xf32> to vector<1x64x2048xf32>
    %squeeze3A_15 = vector.shape_cast %slice3A_14 : vector<1x64x2048xf32> to vector<64x2048xf32>
    %add3A_16 = arith.addf %add3A_13, %squeeze3A_15 : vector<64x2048xf32>
    %slice3A_17 = vector.extract_strided_slice %get3A_2 {offsets = [6, 0, 0], sizes = [1, 64, 2048], strides = [1, 1, 1]} : vector<16x64x2048xf32> to vector<1x64x2048xf32>
    %squeeze3A_18 = vector.shape_cast %slice3A_17 : vector<1x64x2048xf32> to vector<64x2048xf32>
    %add3A_19 = arith.addf %add3A_16, %squeeze3A_18 : vector<64x2048xf32>
    %slice3A_20 = vector.extract_strided_slice %get3A_2 {offsets = [7, 0, 0], sizes = [1, 64, 2048], strides = [1, 1, 1]} : vector<16x64x2048xf32> to vector<1x64x2048xf32>
    %squeeze3A_21 = vector.shape_cast %slice3A_20 : vector<1x64x2048xf32> to vector<64x2048xf32>
    %add3A_22 = arith.addf %add3A_19, %squeeze3A_21 : vector<64x2048xf32>
    %slice3A_23 = vector.extract_strided_slice %get3A_2 {offsets = [8, 0, 0], sizes = [1, 64, 2048], strides = [1, 1, 1]} : vector<16x64x2048xf32> to vector<1x64x2048xf32>
    %squeeze3A_24 = vector.shape_cast %slice3A_23 : vector<1x64x2048xf32> to vector<64x2048xf32>
    %add3A_25 = arith.addf %add3A_22, %squeeze3A_24 : vector<64x2048xf32>
    %slice3A_26 = vector.extract_strided_slice %get3A_2 {offsets = [9, 0, 0], sizes = [1, 64, 2048], strides = [1, 1, 1]} : vector<16x64x2048xf32> to vector<1x64x2048xf32>
    %squeeze3A_27 = vector.shape_cast %slice3A_26 : vector<1x64x2048xf32> to vector<64x2048xf32>
    %add3A_28 = arith.addf %add3A_25, %squeeze3A_27 : vector<64x2048xf32>
    %slice3A_29 = vector.extract_strided_slice %get3A_2 {offsets = [10, 0, 0], sizes = [1, 64, 2048], strides = [1, 1, 1]} : vector<16x64x2048xf32> to vector<1x64x2048xf32>
    %squeeze3A_30 = vector.shape_cast %slice3A_29 : vector<1x64x2048xf32> to vector<64x2048xf32>
    %add3A_31 = arith.addf %add3A_28, %squeeze3A_30 : vector<64x2048xf32>
    %slice3A_32 = vector.extract_strided_slice %get3A_2 {offsets = [11, 0, 0], sizes = [1, 64, 2048], strides = [1, 1, 1]} : vector<16x64x2048xf32> to vector<1x64x2048xf32>
    %squeeze3A_33 = vector.shape_cast %slice3A_32 : vector<1x64x2048xf32> to vector<64x2048xf32>
    %add3A_34 = arith.addf %add3A_31, %squeeze3A_33 : vector<64x2048xf32>
    %slice3A_35 = vector.extract_strided_slice %get3A_2 {offsets = [12, 0, 0], sizes = [1, 64, 2048], strides = [1, 1, 1]} : vector<16x64x2048xf32> to vector<1x64x2048xf32>
    %squeeze3A_36 = vector.shape_cast %slice3A_35 : vector<1x64x2048xf32> to vector<64x2048xf32>
    %add3A_37 = arith.addf %add3A_34, %squeeze3A_36 : vector<64x2048xf32>
    %slice3A_38 = vector.extract_strided_slice %get3A_2 {offsets = [13, 0, 0], sizes = [1, 64, 2048], strides = [1, 1, 1]} : vector<16x64x2048xf32> to vector<1x64x2048xf32>
    %squeeze3A_39 = vector.shape_cast %slice3A_38 : vector<1x64x2048xf32> to vector<64x2048xf32>
    %add3A_40 = arith.addf %add3A_37, %squeeze3A_39 : vector<64x2048xf32>
    %slice3A_41 = vector.extract_strided_slice %get3A_2 {offsets = [14, 0, 0], sizes = [1, 64, 2048], strides = [1, 1, 1]} : vector<16x64x2048xf32> to vector<1x64x2048xf32>
    %squeeze3A_42 = vector.shape_cast %slice3A_41 : vector<1x64x2048xf32> to vector<64x2048xf32>
    %add3A_43 = arith.addf %add3A_40, %squeeze3A_42 : vector<64x2048xf32>
    %slice3A_44 = vector.extract_strided_slice %get3A_2 {offsets = [15, 0, 0], sizes = [1, 64, 2048], strides = [1, 1, 1]} : vector<16x64x2048xf32> to vector<1x64x2048xf32>
    %squeeze3A_45 = vector.shape_cast %slice3A_44 : vector<1x64x2048xf32> to vector<64x2048xf32>
    %add3A_46 = arith.addf %add3A_43, %squeeze3A_45 : vector<64x2048xf32>
    %mul3A = arith.constant 6.250000e-02 : f32
    %mul3A_47 = vector.broadcast %mul3A : f32 to vector<64x2048xf32>
    %mul3A_48 = arith.mulf %add3A_46, %mul3A_47 : vector<64x2048xf32>
    %reduce_max3A = arith.constant dense<0xFF800000> : vector<64xf32>
    %reduce_max3A_49 = vector.multi_reduction <maximumf>, %mul3A_48, %reduce_max3A [1] : vector<64x2048xf32> to vector<64xf32>
    %broadcast_in_dim3A = vector.shape_cast %reduce_max3A_49 : vector<64xf32> to vector<64x1xf32>
    %iota3A = tpu.iota {dimensions = array<i32: 1>} : vector<64x2048xi32>
    %eq3A = vector.broadcast %broadcast_in_dim3A : vector<64x1xf32> to vector<64x2048xf32>
    %eq3A_50 = arith.cmpf oeq, %mul3A_48, %eq3A : vector<64x2048xf32>
    %jit3A = arith.constant 2048 : i32
    %broadcast_in_dim3A_51 = vector.broadcast %jit3A : i32 to vector<64x2048xi32>
    %select_n3A = arith.select %eq3A_50, %iota3A, %broadcast_in_dim3A_51 : vector<64x2048xi1>, vector<64x2048xi32>
    %reduce_min3A = arith.constant dense<2147483647> : vector<64xi32>
    %reduce_min3A_52 = vector.multi_reduction <minsi>, %select_n3A, %reduce_min3A [1] : vector<64x2048xi32> to vector<64xi32>
    %broadcast_in_dim3A_53 = vector.shape_cast %reduce_min3A_52 : vector<64xi32> to vector<64x1xi32>
    %ge3A = arith.constant 0.00999999977 : f32
    %ge3A_54 = vector.broadcast %ge3A : f32 to vector<64x1xf32>
    %ge3A_55 = arith.cmpf oge, %broadcast_in_dim3A, %ge3A_54 : vector<64x1xf32>
    %jit3A_56 = arith.constant -1 : i32
    %broadcast_in_dim3A_57 = vector.broadcast %jit3A_56 : i32 to vector<64x1xi32>
    %select_n3A_58 = arith.select %ge3A_55, %broadcast_in_dim3A_53, %broadcast_in_dim3A_57 : vector<64x1xi1>, vector<64x1xi32>
    %swap3A = arith.constant 0 : index
    %swap3A_59 = arith.constant 0 : index
    %swap3A_60 = vector.load %arg2[%swap3A, %swap3A_59] : memref<64x1xi32, #tpu.memory_space<vmem>>, vector<64x1xi32>
    tpu.vector_store %arg2[%swap3A, %swap3A_59], %select_n3A_58 {strides = array<i32>} : memref<64x1xi32, #tpu.memory_space<vmem>>, vector<64x1xi32>,
    return
  }
  func.func @transform_0(%arg0: i32) -> (i32, i32, i32) {
    %c0_i32 = arith.constant 0 : i32
    %c0_i32_0 = arith.constant 0 : i32
    %c0_i32_1 = arith.constant 0 : i32
    return %c0_i32, %arg0, %c0_i32_0 : i32, i32, i32
  }
  func.func @transform_1(%arg0: i32) -> (i32, i32) {
    %c0_i32 = arith.constant 0 : i32
    %c0_i32_0 = arith.constant 0 : i32
    return %arg0, %c0_i32 : i32, i32
  }
}

</mosaic_0001>

<sc_bundles>
// kernel: kernel.5.cloned.1.call-start
scs
__scs_entry_jumppad:
0x0: {  	(pc) =	sbr.rel $0x88, $3  }
0x1: {  	(tag) =	ssettag $0x0;
	lr =	simm.s32 $0x1  }
0x2: {  	[smem:$0x3F9F] =	sst lr;
	_ =	strace $0xD0000000  }
0x3: {  	_ = 	snop  }
0x4: {  	_ = 	snop  }
0x5: {  	_ = 	snop  }
0x6: {  	_ = 	snop  }
0x7: {  	_ = 	snop  }
__scs_overlays_trampoline_lowered:
0x8: {  	[smem:$0x3FAE] =	sst s0  }
0x9: {  	[smem:$0x3FAF] =	sst s1  }
0xa: {  	[smem:$0x3FB0] =	sst s2  }
0xb: {  	[smem:$0x3FB1] =	sst s3  }
0xc: {  	[smem:$0x3FB2] =	sst s4  }
0xd: {  	[smem:$0x3FB3] =	sst s5  }
0xe: {  	[smem:$0x3FB4] =	sst s6  }
0xf: {  	[smem:$0x3FB5] =	sst s7  }
0x10: {  	[smem:$0x3FB6] =	sst s8  }
0x11: {  	[smem:$0x3FB7] =	sst s9;
	s0 =	simm.s32 @!p0 $0x0  }
0x12: {  	s1 =	sld [smem:$0x3F9D];
	s0 =	simm.s32 @p0 $0x1  }
0x13: {  	[smem:$0x3FB8] =	sst s0;
	s0 =	simm.s32 @!p1 $0x0  }
0x14: {  	s2 =	sld [smem:$0x3F9C];
	s0 =	simm.s32 @p1 $0x1  }
0x15: {  	[smem:$0x3FB9] =	sst s0;
	s0 =	simm.s32 @!p2 $0x0  }
0x16: {  	s3 =	sld [smem:$0x3FDB];
	s0 =	simm.s32 @p2 $0x1  }
0x17: {  	s4 =	simm.s32 $0x1BF5;
	[smem:$0x3FBB] =	sst s0  }
0x18: {  	s0 =	sld [smem:$0x3F9E];
	_ =	swait.ge [sflag:s4], $0x0  }
0x19: {  	s7 =	sld [smem:$0x3F9F]  }
0x1a: {  	s8 =	sadd.s32 $0xFFFFE003, lr  }
0x1b: {  	s9 =	sadd.s32 $0xFFFFFEF7, lr;
	s5 =	simm.s32 $0xFFFFFFFF;
	p2 =	slt.u32 s8, $0xFFFFF086  }
0x1c: {  	p1 =	slt.u32 s9, $0xF7A;
	s5 =	simm.s32 @!p2 $0x0  }
0x1d: {  	s5 =	simm.s32 @p1 $0x1;
	p0 =	seq.s32 s7, s2  }
0x1e: {  	s7 =	smul.u32 @!p0 $0xF7A, s2;
	p2 =	seq.s32 @!p0 s5, $0x0  }
0x1f: {  	s9 =	smul.u32 $0xF7A, s1;
	s8 =	simm.s32 @!p0 $0x1BF5;
	p2 =	por !p2, p0  }
0x20: {  	[sflag:s8] =	ssyncset.s32 @!p0 $0xFFFFF086;
	s6 =	sadd.s32 @!p0 s3, s7;
	s7 =	simm.s32 @!p0 $0x108  }
0x21: {  	s3 =	sadd.s32 s3, s9;
	s6 =	sadd.s32 @!p0 $0x88, s6;
	s7 =	simm.s32 @p2 $0x1082  }
0x22: {  	[simem:s7], [sflag:s8] =	dma.local @!p0 [hbm:s6], $0xF7A  }
0x23: {  	s9 =	sor.u32 $0xD0000000, s2;
	s6 =	simm.s32 $0x108;
	_ =	swait.ge @!p0 [sflag:s8], $0x0  }
0x24: {  	s3 =	sadd.s32 $0x88, s3;
	s6 =	simm.s32 @!p1 $0x1082;
	[sflag:s4] =	ssyncset.s32 $0xFFFFF086  }
0x25: {  	[simem:s6], [sflag:s4] =	dma.local [hbm:s3], $0xF7A  }
0x26: {  	[smem:$0x3F9F] =	sst s1;
	(tag) =	ssettag s2;
	_ =	strace s9  }
0x27: {  	s1 =	sld [smem:$0x3FAF]  }
0x28: {  	s2 =	sld [smem:$0x3FB0]  }
0x29: {  	s4 =	sld [smem:$0x3FB2]  }
0x2a: {  	p0 =	seq.s32 s5, $0x0;
	s5 =	sld [smem:$0x3FB3]  }
0x2b: {  	s6 =	sld [smem:$0x3FB4]  }
0x2c: {  	s7 =	sld [smem:$0x3FB5]  }
0x2d: {  	s3 =	simm.s32 $0x108;
	s8 =	sld [smem:$0x3FB6]  }
0x2e: {  	s3 =	simm.s32 @!p0 $0x1082;
	s9 =	sld [smem:$0x3FB7]  }
0x2f: {  	lr =	sadd.s32 s0, s3;
	s0 =	sld [smem:$0x3FAE]  }
0x30: {  	s3 =	sld [smem:$0x3FB1]  }
0x31: {  	[smem:$0x3FBA] =	sst s10  }
0x32: {  	s10 =	sld [smem:$0x3FB8];
	_ =	sdelay $0x3  }
0x33: {  	p0 =	seq.s32 s10, $0x1;
	s10 =	sld [smem:$0x3FBA];
	_ =	sdelay $0x3  }
0x34: {  	[smem:$0x3FBA] =	sst s10  }
0x35: {  	s10 =	sld [smem:$0x3FB9];
	_ =	sdelay $0x3  }
0x36: {  	p1 =	seq.s32 s10, $0x1;
	s10 =	sld [smem:$0x3FBA];
	_ =	sdelay $0x3  }
0x37: {  	[smem:$0x3FBA] =	sst s10  }
0x38: {  	s10 =	sld [smem:$0x3FBB]  }
0x39: {  	_ = 	snop;
	(pc) =	sbr.ind lr, $3  }
0x3a: {  	_ = 	snop  }
0x3b: {  	_ = 	snop  }
0x3c: {  	p2 =	seq.s32 s10, $0x1;
	s10 =	sld [smem:$0x3FBA]  }
0x3d: {  	_ =	shalt  }
0x3e: {  	_ =	shalt  }
0x3f: {  	_ =	shalt  }
0x40: {  	_ =	shalt  }
0x41: {  	_ =	shalt  }
0x42: {  	_ =	shalt  }
0x43: {  	_ =	shalt  }
0x44: {  	_ =	shalt  }
0x45: {  	_ =	shalt  }
0x46: {  	_ =	shalt  }
0x47: {  	_ =	shalt  }
0x48: {  	_ =	shalt  }
0x49: {  	_ =	shalt  }
0x4a: {  	_ =	shalt  }
0x4b: {  	_ =	shalt  }
0x4c: {  	_ =	shalt  }
0x4d: {  	_ =	shalt  }
0x4e: {  	_ =	shalt  }
0x4f: {  	_ =	shalt  }
0x50: {  	_ =	shalt  }
0x51: {  	_ =	shalt  }
0x52: {  	_ =	shalt  }
0x53: {  	_ =	shalt  }
0x54: {  	_ =	shalt  }
0x55: {  	_ =	shalt  }
0x56: {  	_ =	shalt  }
0x57: {  	_ =	shalt  }
0x58: {  	_ =	shalt  }
0x59: {  	_ =	shalt  }
0x5a: {  	_ =	shalt  }
0x5b: {  	_ =	shalt  }
0x5c: {  	_ =	shalt  }
0x5d: {  	_ =	shalt  }
0x5e: {  	_ =	shalt  }
0x5f: {  	_ =	shalt  }
0x60: {  	_ =	shalt  }
0x61: {  	_ =	shalt  }
0x62: {  	_ =	shalt  }
0x63: {  	_ =	shalt  }
0x64: {  	_ =	shalt  }
0x65: {  	_ =	shalt  }
0x66: {  	_ =	shalt  }
0x67: {  	_ =	shalt  }
0x68: {  	_ =	shalt  }
0x69: {  	_ =	shalt  }
0x6a: {  	_ =	shalt  }
0x6b: {  	_ =	shalt  }
0x6c: {  	_ =	shalt  }
0x6d: {  	_ =	shalt  }
0x6e: {  	_ =	shalt  }
0x6f: {  	_ =	shalt  }
0x70: {  	_ =	shalt  }
0x71: {  	_ =	shalt  }
0x72: {  	_ =	shalt  }
0x73: {  	_ =	shalt  }
0x74: {  	_ =	shalt  }
0x75: {  	_ =	shalt  }
0x76: {  	_ =	shalt  }
0x77: {  	_ =	shalt  }
0x78: {  	_ =	shalt  }
0x79: {  	_ =	shalt  }
0x7a: {  	_ =	shalt  }
0x7b: {  	_ =	shalt  }
0x7c: {  	_ =	shalt  }
0x7d: {  	_ =	shalt  }
0x7e: {  	_ =	shalt  }
0x7f: {  	_ =	shalt  }
0x80: {  	_ =	shalt  }
0x81: {  	_ =	shalt  }
0x82: {  	_ =	shalt  }
0x83: {  	_ =	shalt  }
0x84: {  	_ =	shalt  }
0x85: {  	_ =	shalt  }
0x86: {  	_ =	shalt  }
0x87: {  	_ =	shalt  }
.Lfunc_end0:
.L_simem_size_0:
called_computation_lowered:
.L_overlay_start_0:
0x88: {  	s2 =	sld [smem:$0x3FD9]  }
0x89: {  	s3 =	sld [smem:$0x3FFE];
	_ =	sdelay $0x1  }
0x8a: {  	s1 =	srdreg.scid  }
0x8b: {  	s0 =	sand.u32 $0x1, s1  }
0x8c: {  	s17 =	sshll.u32 s0, $0xA;
	s2 =	sadd.s32 s3, s2  }
0x8d: {  	s2 =	sadd.s32 s2, s17  }
0x8e: {  	[smem:$0x3FC6] =	sst s2  }
0x8f: {  	_ = 	snop  }
0x90: {  	s2 =	sld [smem:$0x3FD0];
	(tm) =	ssettm $0x1  }
0x91: {  	s18 =	sld [smem:$0x3FFB];
	_ =	sdelay $0x3  }
0x92: {  	_ =	strace s18  }
0x93: {  	s3 =	sld [smem:$0x3FFC];
	_ =	sdelay $0x3  }
0x94: {  	_ =	strace s3  }
0x95: {  	s3 =	sld [smem:$0x3FFD];
	_ =	sdelay $0x3  }
0x96: {  	_ =	strace s3  }
0x97: {  	_ =	strace $0x8FFFFFFF  }
0x98: {  	s19 =	sld [smem:$0x3FDB];
	_ =	sdelay $0x1  }
0x99: {  	s4 =	simm.s32 $_scs_section_size  }
0x9a: {  	s5 =	simm.s32 $_size__tile_overlayer_lowered;
	s6 =	simm.s32 $_tile_overlayer_lowered  }
0x9b: {  	s22 =	simm.s32 $0x1BFF;
	s21 =	sshll.u32 s6, $0x1;
	s3 =	sadd.s32 s4, s19  }
0x9c: {  	s7 =	simm.s32 $0x0;
	s20 =	sshll.u32 s5, $0x1;
	s5 =	sadd.s32 s21, s3  }
0x9d: {  	[timem:s7], [sflag:s22] =	dma.local [hbm:s5], s20  }
0x9e: {  	_ =	swait.ge [sflag:s22], s20  }
0x9f: {  	s4 =	ssub.s32 $0x0, s20;
	[sflag:s22] =	ssyncset.done $0x0  }
0xa0: {  	[sflag:s22] =	ssyncadd.s32 s4;
	_ =	sdelay $0x1  }
0xa1: {  	s23 =	simm.s32 $0x1B8B  }
0xa2: {  	_ =	swait.ge [sflag:s23], $0x1  }
0xa3: {  	[sflag:s23] =	ssyncset.done $0x0  }
0xa4: {  	s25 =	simm.s32 $0x1B8E;
	s24 =	sld [smem:$0x3FFE];
	[sflag:s23] =	ssyncadd.s32 $0xFFFFFFFF  }
0xa5: {  	s26 =	simm.s32 $execute0_lowered;
	[smem:$0x3FD2] =	sst s25  }
0xa6: {  	s5 =	sshll.u32 s26, $0x1;
	_ =	strace $0x80000046;
	[dreg:$0x1] =	wrdreg $0xFFFFFFFF  }
0xa7: {  	s28 =	simm.s32 $_size_execute0_lowered;
	s3 =	sadd.s32 s3, s5;
	[dreg:$0x0] =	wrdreg $0x0  }
0xa8: {  	s5 =	sshll.u32 s28, $0x1;
	[dreg:$0x2] =	wrdreg s3  }
0xa9: {  	[dreg:$0x3] =	wrdreg s5  }
0xaa: {  	[dreg:$0x4] =	wrdreg $0xC0  }
0xab: {  	_ =	task [dreg:s7], $0x5FFFF  }
0xac: {  	[dreg:$0x1] =	wrdreg $0xFFFFFFFF  }
0xad: {  	[dreg:$0x0] =	wrdreg $0x60  }
0xae: {  	[dreg:$0x2] =	wrdreg s2  }
0xaf: {  	[dreg:$0x3] =	wrdreg s24  }
0xb0: {  	[dreg:$0x4] =	wrdreg $0x9  }
0xb1: {  	_ =	task.clear_ibuf [dreg:s7], $0x5FFFF;
	_ =	strace $0x90000046  }
0xb2: {  	s29 =	simm.s32 $0x9;
	_ =	strace $0x80000048  }
0xb3: {  	_ =	swait.ge [sflag:s29], $0x1  }
0xb4: {  	[sflag:s29] =	ssyncadd.s32 $0xFFFFFFFF  }
0xb5: {  	_ =	strace $0x90000048  }
0xb6: {  	_ =	sfence  }
0xb7: {  	s30 =	sld [smem:$0x0];
	_ =	sdelay $0x2  }
0xb8: {  	s31 =	sshll.u32 s1, $0xD;
	s1 =	sshrl.u32 s1, $0x2  }
0xb9: {  	s3 =	sand.u32 $0x4000, s31;
	s1 =	sadd.s32 s1, s30  }
0xba: {  	s0 =	sor.u32 s3, s0;
	s1 =	sshll.u32 s1, $0x11  }
0xbb: {  	s0 =	sor.u32 s1, s0  }
0xbc: {  	s0 =	sadd.s32 $0x8F2B, s0  }
0xbd: {  	[sflag:s0] =	ssyncadd.remote.s32 $0x1  }
0xbe: {  	_ =	sfence.sel $0xFFFF  }
0xbf: {  	[dreg:$0x0] =	wrdreg $0xFFFFFFFF;
	(pc) =	sbr.abs _section_cstart, $3  }
0xc0: {  	[dreg:$0x1] =	wrdreg $0xFFFFFFFF  }
0xc1: {  	_ =	task.clear_ibuf [dreg:s7], $0x2FFFF;
	_ =	strace $0x9FFFFFFF  }
0xc2: {  	(tm) =	ssettm $0x7FFFFFFF  }
0xc3: {  	_ =	shalt  }
tec
execute0_lowered:
.L_overlay_start_1:
0x0: {  	(tag) =	ssettag $0x1  }
0x1: {  	s0 =	srdreg.scid  }
0x2: {  	s4 =	sand.u32 $0x1, s0;
	s0 =	stileid.u32  }
0x3: {  	s5 =	sor.u32 s0, s4  }
0x4: {  	p0 =	sne.s32 s5, $0x0  }
.Ltmp0:
0x5: {  	_ = 	snop;
	(pc) =	sbr.rel @p0 .LBB2_7-.Ltmp0, $4  }
0x6: {  	_ = 	snop  }
0x7: {  	s2 =	rddreg [dreg:$0x0]  }
0x8: {  	s3 =	rddreg [dreg:$0x1]  }
0x9: {  	s1 =	rddreg [dreg:$0x2];
	_ =	strace $0x80000047  }
0xa: {  	s4 =	ssub.s32 $0x2, s4;
	s3 =	sadd.s32 $0x200, s3  }
0xb: {  	s6 =	simm.s32 $0x1;
	s7 =	simm.s32 $0x800;
	s5 =	sshrl.u32 s4, $0x1  }
0xc: {  	v0 =	vimm.s32 $0x0;
	v1 =	vimm.s32 $0x1;
	s8 =	simm.s32 $0x0;
	s4 =	ssub.s32 s4, s5;
	s5 =	simm.s32 $0x0  }
.LBB2_2:
0xd: {  	[tilespmem:s5], [sflag:$0x1] =	stream.linear.gather [hbm4b:s2+s5], $0x800, $0x38;
	[tilespmem:$0x1000] =	vst v63  }
0xe: {  	_ =	swait.ge [sflag:s6], $0x800  }
0xf: {  	[sflag:s6] =	ssyncset.done $0x0  }
0x10: {  	s9 =	simm.s32 $0x0;
	[sflag:s6] =	ssyncadd.s32 $0xFFFFF800  }
.LBB2_3:
0x11: {  	p0 =	sne.s32 s9, $0x1FC0  }
.Ltmp1:
0x12: {  	_ = 	snop;
	(pc) =	sbr.rel @p0 .LBB2_3-.Ltmp1, $3  }
0x13: {  	_ =	sdelay $0x1  }
0x14: {  	s10 =	sshra.s32 s9, $0x2  }
0x15: {  	s9 =	sadd.s32 $0x40, s9;
	[tilespmem:s10+$0x800] =	vst v0  }
0x16: {  	s10 =	simm.s32 $0x0;
	s9 =	simm.s32 $0x40  }
.LBB2_5:
0x17: {  	p0 =	sne.s32 s9, $0x1FC0;
	v2 =	vld [tilespmem:s10+$0x0];
	_ =	sdelay $0x4  }
0x18: {  	vm0 =	vgt.s32 v2, $0xFFFFFFFF;
	vm1 =	vgt.s32 v2, $0x0  }
0x19: {  	v2 =	vnsel vm1, $0x0, v2  }
.Ltmp2:
0x1a: {  	(pc) =	sbr.rel @p0 .LBB2_5-.Ltmp2, $2  }
0x1b: {  	_ =	sdelay $0x2  }
0x1c: {  	s10 =	sshra.s32 s9, $0x2;
	s9 =	sadd.s32 $0x40, s9;
	[tilespmem:v2+s7+$0x0] =	vst.idx.msk vm0, v1  }
0x1d: {  	v2 =	vld [tilespmem:s10+$0x0];
	_ =	sdelay $0x4  }
0x1e: {  	vm0 =	vgt.s32 v2, $0xFFFFFFFF;
	vm1 =	vgt.s32 v2, $0x0  }
0x1f: {  	v2 =	vnsel vm1, $0x0, v2;
	_ =	sdelay $0x2  }
0x20: {  	s8 =	sadd.s32 $0x1, s8  }
0x21: {  	p0 =	sne.s32 s8, s4  }
.Ltmp3:
0x22: {  	[tilespmem:v2+s7+$0x0] =	vst.idx.msk vm0, v1;
	(pc) =	sbr.rel @p0 .LBB2_2-.Ltmp3, $4  }
0x23: {  	[hbm4b:s3+s5] =	stream.linear.scatter [tilespmem:s7], [sflag:$0x1], $0x800, $0x38;
	[tilespmem:$0x1000] =	vst v63  }
0x24: {  	_ =	swait.ge [sflag:s6], $0x800  }
0x25: {  	[sflag:s6] =	ssyncset.done $0x0  }
0x26: {  	[sflag:s6] =	ssyncadd.s32 $0xFFFFF800  }
.LBB2_7:
0x27: {  	_ =	sfence.sel $0x180000  }
0x28: {  	[bflag:$0x0] =	sbarrier.arrive $0xFFFF  }
0x29: {  	p0 =	sne.s32 s0, $0x0;
	_ =	strace $0x90000047  }
0x2a: {  	s0 =	sadd.s32 @!p0 $0x100000, s1;
	[bflag:$0x2] =	sbarrier.arrive $0xFFFF  }
0x2b: {  	[sflag:s0] =	ssyncadd.tile.s32 @!p0 $0x1;
	_ =	shalt  }
.Lfunc_end2:
_tile_overlayer_lowered:
.L_overlay_start_2:
0x2c: {  	(tag) =	ssettag $0x2  }
0x2d: {  	s0 =	rddreg [dreg:$0x0];
	s2 =	stileid.u32  }
0x2e: {  	s1 =	rddreg [dreg:$0x1];
	p0 =	sne.s32 s2, $0x0  }
0x2f: {  	s3 =	rddreg [dreg:$0x2];
	[bflag:$0x3] =	sbarrier.arrive $0xFFFF;
	s2 =	simm.s32 @!p0 $0x1C01  }
0x30: {  	[timem:s3], [sflag:s2] =	dma.local @!p0 [hbm:s0], s1  }
0x31: {  	s0 =	simm.s32 @!p0 $0x1  }
0x32: {  	_ =	swait.ge @!p0 [sflag:s0], s1  }
0x33: {  	s1 =	ssub.s32 @!p0 $0x0, s1;
	[sflag:s0] =	ssyncset.done @!p0 $0x0  }
0x34: {  	[sflag:s0] =	ssyncadd.s32 @!p0 s1  }
0x35: {  	[bflag:$0x3] =	sbarrier.arrive $0xFFFF  }
0x36: {  	_ =	shalt  }

</sc_bundles>
